<compile_context>
chip_gen: v7x
topology: tpu7x:2x2x1
jax: 0.10.2.dev20260603
libtpu: 0.0.44.dev20260713+nightly
codegen_flags: <defaults>
</compile_context>

<pallas_src>
import functools

import jax
import jax.numpy as jnp
from jax import lax
from jax.experimental import pallas as pl
from jax.experimental.pallas import tpu as pltpu
from jax.experimental.pallas import tpu_sc as plsc

B = 128
V = 100000
K = 1024
NW = 32
IDS_PER_W = K // NW
TOK_W = 16
TOK_PER_W = B // TOK_W
VC = 25000
NB = (V + VC - 1) // VC


def _stream_body(t_ref, x_ref, s_ref):
    i = pl.program_id(0)

    @pl.when(i == 0)
    def _():
        s_ref[...] = jnp.zeros((1, B), jnp.float32)

    inv_t = 1.0 / t_ref[0]
    e = jnp.exp(x_ref[...] * inv_t)
    s_ref[...] += jnp.sum(e, axis=0, keepdims=True)


def _stream(t1, xt):
    return pl.pallas_call(
        _stream_body,
        grid=(NB,),
        in_specs=[
            pl.BlockSpec(memory_space=pltpu.SMEM),
            pl.BlockSpec((VC, B), lambda i: (i, 0)),
        ],
        out_specs=pl.BlockSpec((1, B), lambda i: (0, 0)),
        out_shape=jax.ShapeDtypeStruct((1, B), jnp.float32),
    )(t1, xt)


def _sc_gather_body(xt_hbm, ids_hbm, tok_hbm, top_out, d_out,
                    ids_v, rows_v, tok_v, trows_v, sem, sem2):
    wid = lax.axis_index("c") * 16 + lax.axis_index("s")
    base = wid * IDS_PER_W
    pltpu.sync_copy(ids_hbm.at[pl.ds(base, IDS_PER_W)], ids_v)
    cp = pltpu.async_copy(xt_hbm.at[ids_v], rows_v, sem)

    @pl.when(wid < TOK_W)
    def _():
        tbase = wid * TOK_PER_W
        pltpu.sync_copy(tok_hbm.at[pl.ds(tbase, TOK_PER_W)], tok_v)
        pltpu.async_copy(xt_hbm.at[tok_v], trows_v, sem2).wait()
        pltpu.sync_copy(trows_v, d_out.at[pl.ds(tbase, TOK_PER_W)])

    cp.wait()
    pltpu.sync_copy(rows_v, top_out.at[pl.ds(base, IDS_PER_W)])


_sc_gather = functools.partial(
    pl.kernel,
    mesh=plsc.VectorSubcoreMesh(core_axis_name="c", subcore_axis_name="s"),
    out_type=[
        jax.ShapeDtypeStruct((K, B), jnp.float32),
        jax.ShapeDtypeStruct((B, B), jnp.float32),
    ],
    scratch_types=[
        pltpu.VMEM((IDS_PER_W,), jnp.int32),
        pltpu.VMEM((IDS_PER_W, B), jnp.float32),
        pltpu.VMEM((TOK_PER_W,), jnp.int32),
        pltpu.VMEM((TOK_PER_W, B), jnp.float32),
        pltpu.SemaphoreType.DMA,
        pltpu.SemaphoreType.DMA,
    ],
)(_sc_gather_body)


def _combine_body(t_ref, b_ref, top_ref, d_ref, s0_ref,
                  tok_ref, ids_ref, w_ref, out_ref):
    inv_t = 1.0 / t_ref[0]
    tv = top_ref[...] * inv_t
    s0 = s0_ref[...]
    temp = jnp.dot(w_ref[...], tv,
                   preferred_element_type=jnp.float32) + b_ref[0]
    temp = jnp.maximum(temp, 1e-6)
    s_minus = jnp.sum(jnp.exp(tv), axis=0, keepdims=True)
    new_top = tv / temp
    m_r = jnp.maximum(0.0, jnp.max(new_top, axis=0, keepdims=True))
    s_new = jnp.sum(jnp.exp(new_top - m_r), axis=0, keepdims=True)
    denom = jnp.maximum(s0 - s_minus, 0.0) * jnp.exp(-m_r) + s_new
    in_top = jnp.any(ids_ref[...] == tok_ref[...], axis=0, keepdims=True)
    d = d_ref[...]
    eye = (lax.broadcasted_iota(jnp.int32, (B, B), 0)
           == lax.broadcasted_iota(jnp.int32, (B, B), 1))
    vt = jnp.sum(jnp.where(eye, d, 0.0), axis=0, keepdims=True) * inv_t
    vt = jnp.where(in_top, vt / temp, vt)
    out_ref[...] = jnp.exp(vt - m_r) / denom


def _combine(t1, b1, top, d, s0, tok, ids, w):
    return pl.pallas_call(
        _combine_body,
        in_specs=[
            pl.BlockSpec(memory_space=pltpu.SMEM),
            pl.BlockSpec(memory_space=pltpu.SMEM),
            pl.BlockSpec((K, B), lambda: (0, 0)),
            pl.BlockSpec((B, B), lambda: (0, 0)),
            pl.BlockSpec((1, B), lambda: (0, 0)),
            pl.BlockSpec((1, B), lambda: (0, 0)),
            pl.BlockSpec((K, 1), lambda: (0, 0)),
            pl.BlockSpec((1, K), lambda: (0, 0)),
        ],
        out_specs=pl.BlockSpec((1, B), lambda: (0, 0)),
        out_shape=jax.ShapeDtypeStruct((1, B), jnp.float32),
    )(t1, b1, top, d, s0, tok, ids, w)


def kernel(x, tokens, top_token_ids, W, b, general_temp):
    t1 = general_temp.reshape(1)
    xt = x.T
    topT, dT = _sc_gather(xt, top_token_ids, tokens)
    s0 = _stream(t1, xt)
    out = _combine(t1, b, topT, dT, s0, tokens.reshape(1, B),
                   top_token_ids.reshape(K, 1), W)
    return out.reshape(B)

# --- scband reference (transcript-rebuilt; emitter-appended) ---
"""Pipeline reference for scband-tiered-ptsmodel-23476291240798 (READ-ONLY COPY).

The authoritative reference and input builder live on the scoring server;
editing this copy changes nothing except your own understanding.
"""

import jax, jax.numpy as jnp
import numpy as np

B = 128
V = 100000
K = 1024


def setup_inputs(seed: int = 0) -> dict:
    key = jax.random.key(seed)
    k1, k2, k3 = jax.random.split(key, 3)
    x = jax.random.normal(k1, (B, V), dtype=jnp.float32)
    tokens = jax.random.randint(k2, (B,), 0, V, dtype=jnp.int32)
    # top_token_ids must be unique indices into the vocab (as in set_tokens)
    rng = np.random.default_rng(0)
    top_token_ids = jnp.asarray(np.sort(rng.choice(V, size=K, replace=False)), dtype=jnp.int32)
    # learned parameters: top_linear (Linear(K, 1)) and general_temp scalar
    W = jax.random.normal(k3, (1, K), dtype=jnp.float32) * 0.02
    b = jnp.zeros((1,), dtype=jnp.float32)
    general_temp = jnp.asarray(1.0, dtype=jnp.float32)
    return {"x": x, "tokens": tokens, "top_token_ids": top_token_ids, "W": W, "b": b, "general_temp": general_temp}


def reference(x, tokens, top_token_ids, W, b, general_temp):
    # x.div_(general_temp)
    x = x / general_temp
    # gather top-token logits: x[:, top_token_ids]
    top = x[:, top_token_ids]                       # [B, K]
    # top_temp = clamp(Linear(top), min=1e-6)
    top_temp = jnp.clip(top @ W.T + b, 1e-6, None)  # [B, 1]
    # scatter-overwrite: x[:, top_token_ids] = top / top_temp
    x = x.at[:, top_token_ids].set(top / top_temp)
    # softmax over vocab
    p = jax.nn.softmax(x, axis=1)
    # tokens provided -> take_along_dim(p, tokens[:, None], dim=1).squeeze(1)
    out = jnp.take_along_axis(p, tokens[:, None], axis=1).squeeze(1)  # [B]
    return out

if __name__ == "__main__":
    import jax
    _d = setup_inputs()
    print(jax.jit(kernel)(*tuple(_d.values())))

</pallas_src>

<mosaic_0001>
#map = affine_map<(d0, d1) -> (0, 0)>
#map1 = affine_map<(d0, d1) -> (0)>
module attributes {stable_mosaic.version = 14 : i64} {
  func.func @_sc_gather_body(%arg0: i32, %arg1: i32, %arg2: memref<100000x128xf32, #tpu.memory_space<hbm>>, %arg3: memref<1024xi32, #tpu.memory_space<hbm>>, %arg4: memref<128xi32, #tpu.memory_space<hbm>>, %arg5: memref<1024x128xf32, #tpu.memory_space<hbm>>, %arg6: memref<128x128xf32, #tpu.memory_space<hbm>>, %arg7: memref<32xi32, #tpu.memory_space<vmem>>, %arg8: memref<32x128xf32, #tpu.memory_space<vmem>>, %arg9: memref<8xi32, #tpu.memory_space<vmem>>, %arg10: memref<8x128xf32, #tpu.memory_space<vmem>>, %arg11: memref<!tpu.dma_semaphore, #tpu.memory_space<semaphore_mem>>, %arg12: memref<!tpu.dma_semaphore, #tpu.memory_space<semaphore_mem>>) attributes {dimension_semantics = [#tpu.dimension_semantics<core_parallel>, #tpu.dimension_semantics<subcore_parallel>], iteration_bounds = array<i64: 2, 16>, scalar_prefetch = 0 : i64, scratch_operands = 6 : i64, tpu.core_type = #tpu.core_type<sc_vector_subcore>, window_params = [{transform_indices = #map}, {transform_indices = #map1}, {transform_indices = #map1}, {transform_indices = #map}, {transform_indices = #map}]} {
    %mul3A = arith.constant 16 : i32
    %mul3A_0 = arith.muli %arg0, %mul3A : i32
    %add3A = arith.addi %mul3A_0, %arg1 : i32
    %mul3A_1 = arith.constant 32 : i32
    %mul3A_2 = arith.muli %add3A, %mul3A_1 : i32
    "tpu.region"() ({
      %run_scoped3A = tpu.sem_alloc : memref<!tpu.dma_semaphore, #tpu.memory_space<semaphore_mem>>
      %dma_start3A_9 = tpu.memref_slice %arg3[%mul3A_2] : memref<1024xi32, #tpu.memory_space<hbm>> -> memref<32xi32, #tpu.memory_space<hbm>>
      %dma_start3A_10 = tpu.memref_slice %arg3[%mul3A_2] : memref<1024xi32, #tpu.memory_space<hbm>> -> memref<32xi32, #tpu.memory_space<hbm>>
      tpu.enqueue_dma source(%dma_start3A_10 : memref<32xi32, #tpu.memory_space<hbm>>) target(%arg7 : memref<32xi32, #tpu.memory_space<vmem>>) target_semaphore(%run_scoped3A : memref<!tpu.dma_semaphore, #tpu.memory_space<semaphore_mem>>)
      %dma_wait3A_11 = tpu.memref_slice %arg3[%mul3A_2] : memref<1024xi32, #tpu.memory_space<hbm>> -> memref<32xi32, #tpu.memory_space<hbm>>
      %dma_wait3A_12 = tpu.memref_slice %arg3[%mul3A_2] : memref<1024xi32, #tpu.memory_space<hbm>> -> memref<32xi32, #tpu.memory_space<hbm>>
      tpu.wait_dma2 semaphore(%run_scoped3A : memref<!tpu.dma_semaphore, #tpu.memory_space<semaphore_mem>>) src(%dma_wait3A_12 : memref<32xi32, #tpu.memory_space<hbm>>) dst(%arg7 : memref<32xi32, #tpu.memory_space<vmem>>)
      tpu.yield
    }) : () -> ()
    %dma_start3A = arith.constant 0 : i32
    %dma_start3A_3 = arith.constant 0 : i32
    %dma_start3A_4 = tpu.memref_slice %arg2[%dma_start3A, %dma_start3A_3] : memref<100000x128xf32, #tpu.memory_space<hbm>> -> memref<100000x128xf32, #tpu.memory_space<hbm>>
    tpu.enqueue_indirect_dma source(%dma_start3A_4 : memref<100000x128xf32, #tpu.memory_space<hbm>>) target(%arg8 : memref<32x128xf32, #tpu.memory_space<vmem>>) offsets(%arg7 : memref<32xi32, #tpu.memory_space<vmem>>) semaphore(%arg11 : memref<!tpu.dma_semaphore, #tpu.memory_space<semaphore_mem>>)
    %lt3A = arith.constant 16 : i32
    %lt3A_5 = arith.cmpi slt, %add3A, %lt3A : i32
    %convert_element_type3A = arith.extui %lt3A_5 : i1 to i32
    %cond3A = arith.constant 0 : i32
    %cond3A_6 = arith.cmpi ne, %convert_element_type3A, %cond3A : i32
    scf.if %cond3A_6 {
      %mul3A_9 = arith.constant 8 : i32
      %mul3A_10 = arith.muli %add3A, %mul3A_9 : i32
      "tpu.region"() ({
        %run_scoped3A = tpu.sem_alloc : memref<!tpu.dma_semaphore, #tpu.memory_space<semaphore_mem>>
        %dma_start3A_17 = tpu.memref_slice %arg4[%mul3A_10] : memref<128xi32, #tpu.memory_space<hbm>> -> memref<8xi32, #tpu.memory_space<hbm>>
        %dma_start3A_18 = tpu.memref_slice %arg4[%mul3A_10] : memref<128xi32, #tpu.memory_space<hbm>> -> memref<8xi32, #tpu.memory_space<hbm>>
        tpu.enqueue_dma source(%dma_start3A_18 : memref<8xi32, #tpu.memory_space<hbm>>) target(%arg9 : memref<8xi32, #tpu.memory_space<vmem>>) target_semaphore(%run_scoped3A : memref<!tpu.dma_semaphore, #tpu.memory_space<semaphore_mem>>)
        %dma_wait3A_19 = tpu.memref_slice %arg4[%mul3A_10] : memref<128xi32, #tpu.memory_space<hbm>> -> memref<8xi32, #tpu.memory_space<hbm>>
        %dma_wait3A_20 = tpu.memref_slice %arg4[%mul3A_10] : memref<128xi32, #tpu.memory_space<hbm>> -> memref<8xi32, #tpu.memory_space<hbm>>
        tpu.wait_dma2 semaphore(%run_scoped3A : memref<!tpu.dma_semaphore, #tpu.memory_space<semaphore_mem>>) src(%dma_wait3A_20 : memref<8xi32, #tpu.memory_space<hbm>>) dst(%arg9 : memref<8xi32, #tpu.memory_space<vmem>>)
        tpu.yield
      }) : () -> ()
      %dma_start3A_11 = arith.constant 0 : i32
      %dma_start3A_12 = arith.constant 0 : i32
      %dma_start3A_13 = tpu.memref_slice %arg2[%dma_start3A_11, %dma_start3A_12] : memref<100000x128xf32, #tpu.memory_space<hbm>> -> memref<100000x128xf32, #tpu.memory_space<hbm>>
      tpu.enqueue_indirect_dma source(%dma_start3A_13 : memref<100000x128xf32, #tpu.memory_space<hbm>>) target(%arg10 : memref<8x128xf32, #tpu.memory_space<vmem>>) offsets(%arg9 : memref<8xi32, #tpu.memory_space<vmem>>) semaphore(%arg12 : memref<!tpu.dma_semaphore, #tpu.memory_space<semaphore_mem>>)
      %dma_wait3A_14 = arith.constant 0 : i32
      %dma_wait3A_15 = arith.constant 0 : i32
      %dma_wait3A_16 = tpu.memref_slice %arg2[%dma_wait3A_14, %dma_wait3A_15] : memref<100000x128xf32, #tpu.memory_space<hbm>> -> memref<100000x128xf32, #tpu.memory_space<hbm>>
      tpu.wait_indirect_dma semaphore(%arg12 : memref<!tpu.dma_semaphore, #tpu.memory_space<semaphore_mem>>) src(%dma_wait3A_16 : memref<100000x128xf32, #tpu.memory_space<hbm>>) dst(%arg10 : memref<8x128xf32, #tpu.memory_space<vmem>>)
      "tpu.region"() ({
        %run_scoped3A = tpu.sem_alloc : memref<!tpu.dma_semaphore, #tpu.memory_space<semaphore_mem>>
        %dma_start3A_17 = arith.constant 0 : i32
        %dma_start3A_18 = tpu.memref_slice %arg6[%mul3A_10, %dma_start3A_17] : memref<128x128xf32, #tpu.memory_space<hbm>> -> memref<8x128xf32, #tpu.memory_space<hbm>>
        %dma_start3A_19 = arith.constant 0 : i32
        %dma_start3A_20 = tpu.memref_slice %arg6[%mul3A_10, %dma_start3A_19] : memref<128x128xf32, #tpu.memory_space<hbm>> -> memref<8x128xf32, #tpu.memory_space<hbm>>
        tpu.enqueue_dma source(%arg10 : memref<8x128xf32, #tpu.memory_space<vmem>>) target(%dma_start3A_20 : memref<8x128xf32, #tpu.memory_space<hbm>>) target_semaphore(%run_scoped3A : memref<!tpu.dma_semaphore, #tpu.memory_space<semaphore_mem>>)
        %dma_wait3A_21 = arith.constant 0 : i32
        %dma_wait3A_22 = tpu.memref_slice %arg6[%mul3A_10, %dma_wait3A_21] : memref<128x128xf32, #tpu.memory_space<hbm>> -> memref<8x128xf32, #tpu.memory_space<hbm>>
        %dma_wait3A_23 = arith.constant 0 : i32
        %dma_wait3A_24 = tpu.memref_slice %arg6[%mul3A_10, %dma_wait3A_23] : memref<128x128xf32, #tpu.memory_space<hbm>> -> memref<8x128xf32, #tpu.memory_space<hbm>>
        tpu.wait_dma2 semaphore(%run_scoped3A : memref<!tpu.dma_semaphore, #tpu.memory_space<semaphore_mem>>) src(%arg10 : memref<8x128xf32, #tpu.memory_space<vmem>>) dst(%dma_wait3A_24 : memref<8x128xf32, #tpu.memory_space<hbm>>)
        tpu.yield
      }) : () -> ()
    } else {
    }
    %dma_wait3A = arith.constant 0 : i32
    %dma_wait3A_7 = arith.constant 0 : i32
    %dma_wait3A_8 = tpu.memref_slice %arg2[%dma_wait3A, %dma_wait3A_7] : memref<100000x128xf32, #tpu.memory_space<hbm>> -> memref<100000x128xf32, #tpu.memory_space<hbm>>
    tpu.wait_indirect_dma semaphore(%arg11 : memref<!tpu.dma_semaphore, #tpu.memory_space<semaphore_mem>>) src(%dma_wait3A_8 : memref<100000x128xf32, #tpu.memory_space<hbm>>) dst(%arg8 : memref<32x128xf32, #tpu.memory_space<vmem>>)
    "tpu.region"() ({
      %run_scoped3A = tpu.sem_alloc : memref<!tpu.dma_semaphore, #tpu.memory_space<semaphore_mem>>
      %dma_start3A_9 = arith.constant 0 : i32
      %dma_start3A_10 = tpu.memref_slice %arg5[%mul3A_2, %dma_start3A_9] : memref<1024x128xf32, #tpu.memory_space<hbm>> -> memref<32x128xf32, #tpu.memory_space<hbm>>
      %dma_start3A_11 = arith.constant 0 : i32
      %dma_start3A_12 = tpu.memref_slice %arg5[%mul3A_2, %dma_start3A_11] : memref<1024x128xf32, #tpu.memory_space<hbm>> -> memref<32x128xf32, #tpu.memory_space<hbm>>
      tpu.enqueue_dma source(%arg8 : memref<32x128xf32, #tpu.memory_space<vmem>>) target(%dma_start3A_12 : memref<32x128xf32, #tpu.memory_space<hbm>>) target_semaphore(%run_scoped3A : memref<!tpu.dma_semaphore, #tpu.memory_space<semaphore_mem>>)
      %dma_wait3A_13 = arith.constant 0 : i32
      %dma_wait3A_14 = tpu.memref_slice %arg5[%mul3A_2, %dma_wait3A_13] : memref<1024x128xf32, #tpu.memory_space<hbm>> -> memref<32x128xf32, #tpu.memory_space<hbm>>
      %dma_wait3A_15 = arith.constant 0 : i32
      %dma_wait3A_16 = tpu.memref_slice %arg5[%mul3A_2, %dma_wait3A_15] : memref<1024x128xf32, #tpu.memory_space<hbm>> -> memref<32x128xf32, #tpu.memory_space<hbm>>
      tpu.wait_dma2 semaphore(%run_scoped3A : memref<!tpu.dma_semaphore, #tpu.memory_space<semaphore_mem>>) src(%arg8 : memref<32x128xf32, #tpu.memory_space<vmem>>) dst(%dma_wait3A_16 : memref<32x128xf32, #tpu.memory_space<hbm>>)
      tpu.yield
    }) : () -> ()
    return
  }
}

module attributes {stable_mosaic.version = 14 : i64} {
  func.func @_stream_body(%arg0: i32, %arg1: memref<1xf32, #tpu.memory_space<smem>>, %arg2: memref<25000x128xf32, #tpu.memory_space<vmem>>, %arg3: memref<1x128xf32, #tpu.memory_space<vmem>>) attributes {dimension_semantics = [#tpu.dimension_semantics<arbitrary>], iteration_bounds = array<i64: 4>, scalar_prefetch = 0 : i64, scratch_operands = 0 : i64, tpu.core_type = #tpu.core_type<tc>, window_params = [{transform_indices = @transform_0, window_bounds = array<i64: 1>}, {transform_indices = @transform_1, window_bounds = array<i64: 25000, 128>}, {pipeline_mode = #tpu.pipeline_mode<synchronous>, transform_indices = @transform_2, window_bounds = array<i64: 1, 128>}]} {
    %eq3A = arith.constant 0 : i32
    %eq3A_0 = arith.cmpi eq, %arg0, %eq3A : i32
    %convert_element_type3A = arith.extui %eq3A_0 : i1 to i32
    %cond3A = arith.constant 0 : i32
    %cond3A_1 = arith.cmpi ne, %convert_element_type3A, %cond3A : i32
    scf.if %cond3A_1 {
      %broadcast_in_dim3A_14 = arith.constant 0.000000e+00 : f32
      %broadcast_in_dim3A_15 = vector.broadcast %broadcast_in_dim3A_14 : f32 to vector<1x128xf32>
      %swap3A_16 = arith.constant 0 : index
      %swap3A_17 = arith.constant 0 : index
      %swap3A_18 = vector.load %arg3[%swap3A_16, %swap3A_17] : memref<1x128xf32, #tpu.memory_space<vmem>>, vector<1x128xf32>
      tpu.vector_store %arg3[%swap3A_16, %swap3A_17], %broadcast_in_dim3A_15 {strides = array<i32>} : memref<1x128xf32, #tpu.memory_space<vmem>>, vector<1x128xf32>,
    } else {
    }
    %get3A = arith.constant 0 : index
    %get3A_2 = memref.load %arg1[%get3A] : memref<1xf32, #tpu.memory_space<smem>>
    %div3A = arith.constant 1.000000e+00 : f32
    %div3A_3 = arith.divf %div3A, %get3A_2 : f32
    %get3A_4 = arith.constant 0 : index
    %get3A_5 = arith.constant 0 : index
    %get3A_6 = vector.load %arg2[%get3A_4, %get3A_5] : memref<25000x128xf32, #tpu.memory_space<vmem>>, vector<25000x128xf32>
    %mul3A = vector.broadcast %div3A_3 : f32 to vector<25000x128xf32>
    %mul3A_7 = arith.mulf %get3A_6, %mul3A : vector<25000x128xf32>
    %exp3A = math.exp %mul3A_7 : vector<25000x128xf32>
    %get3A_8 = arith.constant 0 : index
    %get3A_9 = arith.constant 0 : index
    %get3A_10 = vector.load %arg3[%get3A_8, %get3A_9] : memref<1x128xf32, #tpu.memory_space<vmem>>, vector<1x128xf32>
    %reduce_sum3A = arith.constant dense<0.000000e+00> : vector<128xf32>
    %reduce_sum3A_11 = vector.multi_reduction <add>, %exp3A, %reduce_sum3A [0] : vector<25000x128xf32> to vector<128xf32>
    %broadcast_in_dim3A = vector.shape_cast %reduce_sum3A_11 : vector<128xf32> to vector<1x128xf32>
    %add3A = arith.addf %get3A_10, %broadcast_in_dim3A : vector<1x128xf32>
    %swap3A = arith.constant 0 : index
    %swap3A_12 = arith.constant 0 : index
    %swap3A_13 = vector.load %arg3[%swap3A, %swap3A_12] : memref<1x128xf32, #tpu.memory_space<vmem>>, vector<1x128xf32>
    tpu.vector_store %arg3[%swap3A, %swap3A_12], %add3A {strides = array<i32>} : memref<1x128xf32, #tpu.memory_space<vmem>>, vector<1x128xf32>,
    return
  }
  func.func @transform_0(%arg0: i32) -> i32 {
    %c0_i32 = arith.constant 0 : i32
    %c0_i32_0 = arith.constant 0 : i32
    return %c0_i32 : i32
  }
  func.func @transform_1(%arg0: i32) -> (i32, i32) {
    %c0_i32 = arith.constant 0 : i32
    %c0_i32_0 = arith.constant 0 : i32
    return %arg0, %c0_i32 : i32, i32
  }
  func.func @transform_2(%arg0: i32) -> (i32, i32) {
    %c0_i32 = arith.constant 0 : i32
    %c0_i32_0 = arith.constant 0 : i32
    %c0_i32_1 = arith.constant 0 : i32
    return %c0_i32, %c0_i32_0 : i32, i32
  }
}

module attributes {stable_mosaic.version = 14 : i64} {
  func.func @_combine_body(%arg0: memref<1xf32, #tpu.memory_space<smem>>, %arg1: memref<1xf32, #tpu.memory_space<smem>>, %arg2: memref<1024x128xf32, #tpu.memory_space<vmem>>, %arg3: memref<128x128xf32, #tpu.memory_space<vmem>>, %arg4: memref<1x128xf32, #tpu.memory_space<vmem>>, %arg5: memref<1x128xi32, #tpu.memory_space<vmem>>, %arg6: memref<1024x1xi32, #tpu.memory_space<vmem>>, %arg7: memref<1x1024xf32, #tpu.memory_space<vmem>>, %arg8: memref<1x128xf32, #tpu.memory_space<vmem>>) attributes {dimension_semantics = [], scalar_prefetch = 0 : i64, scratch_operands = 0 : i64, tpu.core_type = #tpu.core_type<tc>} {
    %get3A = arith.constant 0 : index
    %get3A_0 = memref.load %arg0[%get3A] : memref<1xf32, #tpu.memory_space<smem>>
    %div3A = arith.constant 1.000000e+00 : f32
    %div3A_1 = arith.divf %div3A, %get3A_0 : f32
    %get3A_2 = arith.constant 0 : index
    %get3A_3 = arith.constant 0 : index
    %get3A_4 = vector.load %arg2[%get3A_2, %get3A_3] : memref<1024x128xf32, #tpu.memory_space<vmem>>, vector<1024x128xf32>
    %mul3A = vector.broadcast %div3A_1 : f32 to vector<1024x128xf32>
    %mul3A_5 = arith.mulf %get3A_4, %mul3A : vector<1024x128xf32>
    %get3A_6 = arith.constant 0 : index
    %get3A_7 = arith.constant 0 : index
    %get3A_8 = vector.load %arg4[%get3A_6, %get3A_7] : memref<1x128xf32, #tpu.memory_space<vmem>>, vector<1x128xf32>
    %get3A_9 = arith.constant 0 : index
    %get3A_10 = arith.constant 0 : index
    %get3A_11 = vector.load %arg7[%get3A_9, %get3A_10] : memref<1x1024xf32, #tpu.memory_space<vmem>>, vector<1x1024xf32>
    %dot_general3A = arith.constant dense<0.000000e+00> : vector<1x128xf32>
    %dot_general3A_12 = tpu.matmul %get3A_11, %mul3A_5, %dot_general3A {dimension_numbers = #tpu.dot_dimension_numbers<[1], [0], [0], [1], [0, 0, 1, 1], [], []>, transpose_lhs_hint = false} : vector<1x1024xf32>, vector<1024x128xf32>, vector<1x128xf32> -> vector<1x128xf32>
    %get3A_13 = arith.constant 0 : index
    %get3A_14 = memref.load %arg1[%get3A_13] : memref<1xf32, #tpu.memory_space<smem>>
    %add3A = vector.broadcast %get3A_14 : f32 to vector<1x128xf32>
    %add3A_15 = arith.addf %dot_general3A_12, %add3A : vector<1x128xf32>
    %max3A = arith.constant 9.99999997E-7 : f32
    %max3A_16 = vector.broadcast %max3A : f32 to vector<1x128xf32>
    %max3A_17 = arith.maximumf %add3A_15, %max3A_16 : vector<1x128xf32>
    %exp3A = math.exp %mul3A_5 : vector<1024x128xf32>
    %reduce_sum3A = arith.constant dense<0.000000e+00> : vector<128xf32>
    %reduce_sum3A_18 = vector.multi_reduction <add>, %exp3A, %reduce_sum3A [0] : vector<1024x128xf32> to vector<128xf32>
    %broadcast_in_dim3A = vector.shape_cast %reduce_sum3A_18 : vector<128xf32> to vector<1x128xf32>
    %div3A_19 = vector.broadcast %max3A_17 : vector<1x128xf32> to vector<1024x128xf32>
    %div3A_20 = arith.divf %mul3A_5, %div3A_19 : vector<1024x128xf32>
    %reduce_max3A = arith.constant dense<0xFF800000> : vector<128xf32>
    %reduce_max3A_21 = vector.multi_reduction <maximumf>, %div3A_20, %reduce_max3A [0] : vector<1024x128xf32> to vector<128xf32>
    %broadcast_in_dim3A_22 = vector.shape_cast %reduce_max3A_21 : vector<128xf32> to vector<1x128xf32>
    %max3A_23 = arith.constant 0.000000e+00 : f32
    %max3A_24 = vector.broadcast %max3A_23 : f32 to vector<1x128xf32>
    %max3A_25 = arith.maximumf %max3A_24, %broadcast_in_dim3A_22 : vector<1x128xf32>
    %sub3A = vector.broadcast %max3A_25 : vector<1x128xf32> to vector<1024x128xf32>
    %sub3A_26 = arith.subf %div3A_20, %sub3A : vector<1024x128xf32>
    %exp3A_27 = math.exp %sub3A_26 : vector<1024x128xf32>
    %reduce_sum3A_28 = arith.constant dense<0.000000e+00> : vector<128xf32>
    %reduce_sum3A_29 = vector.multi_reduction <add>, %exp3A_27, %reduce_sum3A_28 [0] : vector<1024x128xf32> to vector<128xf32>
    %broadcast_in_dim3A_30 = vector.shape_cast %reduce_sum3A_29 : vector<128xf32> to vector<1x128xf32>
    %sub3A_31 = arith.subf %get3A_8, %broadcast_in_dim3A : vector<1x128xf32>
    %max3A_32 = arith.constant 0.000000e+00 : f32
    %max3A_33 = vector.broadcast %max3A_32 : f32 to vector<1x128xf32>
    %max3A_34 = arith.maximumf %sub3A_31, %max3A_33 : vector<1x128xf32>
    %neg3A = arith.constant 0.000000e+00 : f32
    %neg3A_35 = vector.broadcast %neg3A : f32 to vector<1x128xf32>
    %neg3A_36 = arith.subf %neg3A_35, %max3A_25 : vector<1x128xf32>
    %exp3A_37 = math.exp %neg3A_36 : vector<1x128xf32>
    %mul3A_38 = arith.mulf %max3A_34, %exp3A_37 : vector<1x128xf32>
    %add3A_39 = arith.addf %mul3A_38, %broadcast_in_dim3A_30 : vector<1x128xf32>
    %get3A_40 = arith.constant 0 : index
    %get3A_41 = arith.constant 0 : index
    %get3A_42 = vector.load %arg6[%get3A_40, %get3A_41] : memref<1024x1xi32, #tpu.memory_space<vmem>>, vector<1024x1xi32>
    %get3A_43 = arith.constant 0 : index
    %get3A_44 = arith.constant 0 : index
    %get3A_45 = vector.load %arg5[%get3A_43, %get3A_44] : memref<1x128xi32, #tpu.memory_space<vmem>>, vector<1x128xi32>
    %eq3A = vector.broadcast %get3A_42 : vector<1024x1xi32> to vector<1024x128xi32>
    %eq3A_46 = vector.broadcast %get3A_45 : vector<1x128xi32> to vector<1024x128xi32>
    %eq3A_47 = arith.cmpi eq, %eq3A, %eq3A_46 : vector<1024x128xi32>
    %reduce_or3A = arith.constant 1.000000e+00 : f32
    %reduce_or3A_48 = arith.constant 0.000000e+00 : f32
    %reduce_or3A_49 = vector.broadcast %reduce_or3A : f32 to vector<1024x128xf32>
    %reduce_or3A_50 = vector.broadcast %reduce_or3A_48 : f32 to vector<1024x128xf32>
    %reduce_or3A_51 = arith.select %eq3A_47, %reduce_or3A_49, %reduce_or3A_50 : vector<1024x128xi1>, vector<1024x128xf32>
    %reduce_or3A_52 = arith.constant dense<0xFF800000> : vector<128xf32>
    %reduce_or3A_53 = vector.multi_reduction <maximumf>, %reduce_or3A_51, %reduce_or3A_52 [0] : vector<1024x128xf32> to vector<128xf32>
    %reduce_or3A_54 = arith.constant 0.000000e+00 : f32
    %reduce_or3A_55 = vector.broadcast %reduce_or3A_54 : f32 to vector<128xf32>
    %reduce_or3A_56 = arith.cmpf ogt, %reduce_or3A_53, %reduce_or3A_55 : vector<128xf32>
    %broadcast_in_dim3A_57 = vector.shape_cast %reduce_or3A_56 : vector<128xi1> to vector<1x128xi1>
    %get3A_58 = arith.constant 0 : index
    %get3A_59 = arith.constant 0 : index
    %get3A_60 = vector.load %arg3[%get3A_58, %get3A_59] : memref<128x128xf32, #tpu.memory_space<vmem>>, vector<128x128xf32>
    %iota3A = tpu.iota {dimensions = array<i32: 0>} : vector<128x128xi32>
    %iota3A_61 = tpu.iota {dimensions = array<i32: 1>} : vector<128x128xi32>
    %eq3A_62 = arith.cmpi eq, %iota3A, %iota3A_61 : vector<128x128xi32>
    %jit3A = arith.constant 0.000000e+00 : f32
    %broadcast_in_dim3A_63 = vector.broadcast %jit3A : f32 to vector<128x128xf32>
    %select_n3A = arith.select %eq3A_62, %get3A_60, %broadcast_in_dim3A_63 : vector<128x128xi1>, vector<128x128xf32>
    %reduce_sum3A_64 = arith.constant dense<0.000000e+00> : vector<128xf32>
    %reduce_sum3A_65 = vector.multi_reduction <add>, %select_n3A, %reduce_sum3A_64 [0] : vector<128x128xf32> to vector<128xf32>
    %broadcast_in_dim3A_66 = vector.shape_cast %reduce_sum3A_65 : vector<128xf32> to vector<1x128xf32>
    %mul3A_67 = vector.broadcast %div3A_1 : f32 to vector<1x128xf32>
    %mul3A_68 = arith.mulf %broadcast_in_dim3A_66, %mul3A_67 : vector<1x128xf32>
    %div3A_69 = arith.divf %mul3A_68, %max3A_17 : vector<1x128xf32>
    %select_n3A_70 = arith.select %broadcast_in_dim3A_57, %div3A_69, %mul3A_68 : vector<1x128xi1>, vector<1x128xf32>
    %sub3A_71 = arith.subf %select_n3A_70, %max3A_25 : vector<1x128xf32>
    %exp3A_72 = math.exp %sub3A_71 : vector<1x128xf32>
    %div3A_73 = arith.divf %exp3A_72, %add3A_39 : vector<1x128xf32>
    %swap3A = arith.constant 0 : index
    %swap3A_74 = arith.constant 0 : index
    %swap3A_75 = vector.load %arg8[%swap3A, %swap3A_74] : memref<1x128xf32, #tpu.memory_space<vmem>>, vector<1x128xf32>
    tpu.vector_store %arg8[%swap3A, %swap3A_74], %div3A_73 {strides = array<i32>} : memref<1x128xf32, #tpu.memory_space<vmem>>, vector<1x128xf32>,
    return
  }
}

</mosaic_0001>

<sc_bundles>
// kernel: kernel.5.cloned.1.call-start
scs
__scs_entry_jumppad:
0x0: {  	(pc) =	sbr.rel $0x88, $3  }
0x1: {  	(tag) =	ssettag $0x0;
	lr =	simm.s32 $0x1  }
0x2: {  	[smem:$0x3F9B] =	sst lr;
	_ =	strace $0xD0000000  }
0x3: {  	_ = 	snop  }
0x4: {  	_ = 	snop  }
0x5: {  	_ = 	snop  }
0x6: {  	_ = 	snop  }
0x7: {  	_ = 	snop  }
__scs_overlays_trampoline_lowered:
0x8: {  	[smem:$0x3FAA] =	sst s0  }
0x9: {  	[smem:$0x3FAB] =	sst s1  }
0xa: {  	[smem:$0x3FAC] =	sst s2  }
0xb: {  	[smem:$0x3FAD] =	sst s3  }
0xc: {  	[smem:$0x3FAE] =	sst s4  }
0xd: {  	[smem:$0x3FAF] =	sst s5  }
0xe: {  	[smem:$0x3FB0] =	sst s6  }
0xf: {  	[smem:$0x3FB1] =	sst s7  }
0x10: {  	[smem:$0x3FB2] =	sst s8  }
0x11: {  	[smem:$0x3FB3] =	sst s9;
	s0 =	simm.s32 @!p0 $0x0  }
0x12: {  	s1 =	sld [smem:$0x3F99];
	s0 =	simm.s32 @p0 $0x1  }
0x13: {  	[smem:$0x3FB4] =	sst s0;
	s0 =	simm.s32 @!p1 $0x0  }
0x14: {  	s2 =	sld [smem:$0x3F98];
	s0 =	simm.s32 @p1 $0x1  }
0x15: {  	[smem:$0x3FB5] =	sst s0;
	s0 =	simm.s32 @!p2 $0x0  }
0x16: {  	s3 =	sld [smem:$0x3FDB];
	s0 =	simm.s32 @p2 $0x1  }
0x17: {  	s4 =	simm.s32 $0x1BF5;
	[smem:$0x3FB7] =	sst s0  }
0x18: {  	s0 =	sld [smem:$0x3F9A];
	_ =	swait.ge [sflag:s4], $0x0  }
0x19: {  	s7 =	sld [smem:$0x3F9B]  }
0x1a: {  	s8 =	sadd.s32 $0xFFFFE003, lr  }
0x1b: {  	s9 =	sadd.s32 $0xFFFFFEF7, lr;
	s5 =	simm.s32 $0xFFFFFFFF;
	p2 =	slt.u32 s8, $0xFFFFF086  }
0x1c: {  	p1 =	slt.u32 s9, $0xF7A;
	s5 =	simm.s32 @!p2 $0x0  }
0x1d: {  	s5 =	simm.s32 @p1 $0x1;
	p0 =	seq.s32 s7, s2  }
0x1e: {  	s7 =	smul.u32 @!p0 $0xF7A, s2;
	p2 =	seq.s32 @!p0 s5, $0x0  }
0x1f: {  	s9 =	smul.u32 $0xF7A, s1;
	s8 =	simm.s32 @!p0 $0x1BF5;
	p2 =	por !p2, p0  }
0x20: {  	[sflag:s8] =	ssyncset.s32 @!p0 $0xFFFFF086;
	s6 =	sadd.s32 @!p0 s3, s7;
	s7 =	simm.s32 @!p0 $0x108  }
0x21: {  	s3 =	sadd.s32 s3, s9;
	s6 =	sadd.s32 @!p0 $0x88, s6;
	s7 =	simm.s32 @p2 $0x1082  }
0x22: {  	[simem:s7], [sflag:s8] =	dma.local @!p0 [hbm:s6], $0xF7A  }
0x23: {  	s9 =	sor.u32 $0xD0000000, s2;
	s6 =	simm.s32 $0x108;
	_ =	swait.ge @!p0 [sflag:s8], $0x0  }
0x24: {  	s3 =	sadd.s32 $0x88, s3;
	s6 =	simm.s32 @!p1 $0x1082;
	[sflag:s4] =	ssyncset.s32 $0xFFFFF086  }
0x25: {  	[simem:s6], [sflag:s4] =	dma.local [hbm:s3], $0xF7A  }
0x26: {  	[smem:$0x3F9B] =	sst s1;
	(tag) =	ssettag s2;
	_ =	strace s9  }
0x27: {  	s1 =	sld [smem:$0x3FAB]  }
0x28: {  	s2 =	sld [smem:$0x3FAC]  }
0x29: {  	s4 =	sld [smem:$0x3FAE]  }
0x2a: {  	p0 =	seq.s32 s5, $0x0;
	s5 =	sld [smem:$0x3FAF]  }
0x2b: {  	s6 =	sld [smem:$0x3FB0]  }
0x2c: {  	s7 =	sld [smem:$0x3FB1]  }
0x2d: {  	s3 =	simm.s32 $0x108;
	s8 =	sld [smem:$0x3FB2]  }
0x2e: {  	s3 =	simm.s32 @!p0 $0x1082;
	s9 =	sld [smem:$0x3FB3]  }
0x2f: {  	lr =	sadd.s32 s0, s3;
	s0 =	sld [smem:$0x3FAA]  }
0x30: {  	s3 =	sld [smem:$0x3FAD]  }
0x31: {  	[smem:$0x3FB6] =	sst s10  }
0x32: {  	s10 =	sld [smem:$0x3FB4];
	_ =	sdelay $0x3  }
0x33: {  	p0 =	seq.s32 s10, $0x1;
	s10 =	sld [smem:$0x3FB6];
	_ =	sdelay $0x3  }
0x34: {  	[smem:$0x3FB6] =	sst s10  }
0x35: {  	s10 =	sld [smem:$0x3FB5];
	_ =	sdelay $0x3  }
0x36: {  	p1 =	seq.s32 s10, $0x1;
	s10 =	sld [smem:$0x3FB6];
	_ =	sdelay $0x3  }
0x37: {  	[smem:$0x3FB6] =	sst s10  }
0x38: {  	s10 =	sld [smem:$0x3FB7]  }
0x39: {  	_ = 	snop;
	(pc) =	sbr.ind lr, $3  }
0x3a: {  	_ = 	snop  }
0x3b: {  	_ = 	snop  }
0x3c: {  	p2 =	seq.s32 s10, $0x1;
	s10 =	sld [smem:$0x3FB6]  }
0x3d: {  	_ =	shalt  }
0x3e: {  	_ =	shalt  }
0x3f: {  	_ =	shalt  }
0x40: {  	_ =	shalt  }
0x41: {  	_ =	shalt  }
0x42: {  	_ =	shalt  }
0x43: {  	_ =	shalt  }
0x44: {  	_ =	shalt  }
0x45: {  	_ =	shalt  }
0x46: {  	_ =	shalt  }
0x47: {  	_ =	shalt  }
0x48: {  	_ =	shalt  }
0x49: {  	_ =	shalt  }
0x4a: {  	_ =	shalt  }
0x4b: {  	_ =	shalt  }
0x4c: {  	_ =	shalt  }
0x4d: {  	_ =	shalt  }
0x4e: {  	_ =	shalt  }
0x4f: {  	_ =	shalt  }
0x50: {  	_ =	shalt  }
0x51: {  	_ =	shalt  }
0x52: {  	_ =	shalt  }
0x53: {  	_ =	shalt  }
0x54: {  	_ =	shalt  }
0x55: {  	_ =	shalt  }
0x56: {  	_ =	shalt  }
0x57: {  	_ =	shalt  }
0x58: {  	_ =	shalt  }
0x59: {  	_ =	shalt  }
0x5a: {  	_ =	shalt  }
0x5b: {  	_ =	shalt  }
0x5c: {  	_ =	shalt  }
0x5d: {  	_ =	shalt  }
0x5e: {  	_ =	shalt  }
0x5f: {  	_ =	shalt  }
0x60: {  	_ =	shalt  }
0x61: {  	_ =	shalt  }
0x62: {  	_ =	shalt  }
0x63: {  	_ =	shalt  }
0x64: {  	_ =	shalt  }
0x65: {  	_ =	shalt  }
0x66: {  	_ =	shalt  }
0x67: {  	_ =	shalt  }
0x68: {  	_ =	shalt  }
0x69: {  	_ =	shalt  }
0x6a: {  	_ =	shalt  }
0x6b: {  	_ =	shalt  }
0x6c: {  	_ =	shalt  }
0x6d: {  	_ =	shalt  }
0x6e: {  	_ =	shalt  }
0x6f: {  	_ =	shalt  }
0x70: {  	_ =	shalt  }
0x71: {  	_ =	shalt  }
0x72: {  	_ =	shalt  }
0x73: {  	_ =	shalt  }
0x74: {  	_ =	shalt  }
0x75: {  	_ =	shalt  }
0x76: {  	_ =	shalt  }
0x77: {  	_ =	shalt  }
0x78: {  	_ =	shalt  }
0x79: {  	_ =	shalt  }
0x7a: {  	_ =	shalt  }
0x7b: {  	_ =	shalt  }
0x7c: {  	_ =	shalt  }
0x7d: {  	_ =	shalt  }
0x7e: {  	_ =	shalt  }
0x7f: {  	_ =	shalt  }
0x80: {  	_ =	shalt  }
0x81: {  	_ =	shalt  }
0x82: {  	_ =	shalt  }
0x83: {  	_ =	shalt  }
0x84: {  	_ =	shalt  }
0x85: {  	_ =	shalt  }
0x86: {  	_ =	shalt  }
0x87: {  	_ =	shalt  }
.Lfunc_end0:
.L_simem_size_0:
called_computation_lowered:
.L_overlay_start_0:
0x88: {  	s2 =	sld [smem:$0x3FD9]  }
0x89: {  	s3 =	sld [smem:$0x3FFE];
	_ =	sdelay $0x1  }
0x8a: {  	s1 =	srdreg.scid  }
0x8b: {  	s0 =	sand.u32 $0x1, s1  }
0x8c: {  	s17 =	sshll.u32 s0, $0xA;
	s2 =	sadd.s32 s3, s2  }
0x8d: {  	s2 =	sadd.s32 s2, s17  }
0x8e: {  	[smem:$0x3FC2] =	sst s2  }
0x8f: {  	_ = 	snop  }
0x90: {  	s2 =	sld [smem:$0x3FC9]  }
0x91: {  	s18 =	sld [smem:$0x3FC8]  }
0x92: {  	s4 =	sld [smem:$0x3FC7];
	(tm) =	ssettm $0x1  }
0x93: {  	s5 =	sld [smem:$0x3FFB];
	_ =	sdelay $0x3  }
0x94: {  	_ =	strace s5  }
0x95: {  	s5 =	sld [smem:$0x3FFC];
	_ =	sdelay $0x3  }
0x96: {  	_ =	strace s5  }
0x97: {  	s5 =	sld [smem:$0x3FFD];
	_ =	sdelay $0x3  }
0x98: {  	_ =	strace s5  }
0x99: {  	_ =	strace $0x8FFFFFFF  }
0x9a: {  	s19 =	sld [smem:$0x3FDB];
	_ =	sdelay $0x1  }
0x9b: {  	s6 =	simm.s32 $_scs_section_size  }
0x9c: {  	s7 =	simm.s32 $_size__tile_overlayer_lowered;
	s8 =	simm.s32 $_tile_overlayer_lowered  }
0x9d: {  	s22 =	simm.s32 $0x1BFF;
	s21 =	sshll.u32 s8, $0x1;
	s5 =	sadd.s32 s6, s19  }
0x9e: {  	s9 =	simm.s32 $0x0;
	s20 =	sshll.u32 s7, $0x1;
	s7 =	sadd.s32 s21, s5  }
0x9f: {  	[timem:s9], [sflag:s22] =	dma.local [hbm:s7], s20  }
0xa0: {  	_ =	swait.ge [sflag:s22], s20  }
0xa1: {  	s6 =	ssub.s32 $0x0, s20;
	[sflag:s22] =	ssyncset.done $0x0  }
0xa2: {  	[sflag:s22] =	ssyncadd.s32 s6;
	_ =	sdelay $0x1  }
0xa3: {  	s23 =	simm.s32 $0x1B8B  }
0xa4: {  	_ =	swait.ge [sflag:s23], $0x1  }
0xa5: {  	[sflag:s23] =	ssyncset.done $0x0  }
0xa6: {  	s25 =	simm.s32 $0x1B8E;
	s24 =	sld [smem:$0x3FFE];
	[sflag:s23] =	ssyncadd.s32 $0xFFFFFFFF  }
0xa7: {  	s26 =	simm.s32 $execute0_lowered;
	[smem:$0x3FD2] =	sst s25  }
0xa8: {  	s7 =	sshll.u32 s26, $0x1;
	_ =	strace $0x80000046;
	[dreg:$0x1] =	wrdreg $0xFFFFFFFF  }
0xa9: {  	s28 =	simm.s32 $_size_execute0_lowered;
	s5 =	sadd.s32 s5, s7;
	[dreg:$0x0] =	wrdreg $0x0  }
0xaa: {  	s7 =	sshll.u32 s28, $0x1;
	[dreg:$0x2] =	wrdreg s5  }
0xab: {  	[dreg:$0x3] =	wrdreg s7  }
0xac: {  	[dreg:$0x4] =	wrdreg $0xC0  }
0xad: {  	_ =	task [dreg:s9], $0x5FFFF  }
0xae: {  	[dreg:$0x1] =	wrdreg $0xFFFFFFFF  }
0xaf: {  	[dreg:$0x0] =	wrdreg $0x60  }
0xb0: {  	[dreg:$0x2] =	wrdreg s2  }
0xb1: {  	[dreg:$0x3] =	wrdreg s4  }
0xb2: {  	[dreg:$0x4] =	wrdreg s18  }
0xb3: {  	[dreg:$0x5] =	wrdreg s24  }
0xb4: {  	[dreg:$0x6] =	wrdreg $0x9  }
0xb5: {  	_ =	task.clear_ibuf [dreg:s9], $0x7FFFF;
	_ =	strace $0x90000046  }
0xb6: {  	s29 =	simm.s32 $0x9;
	_ =	strace $0x80000048  }
0xb7: {  	_ =	swait.ge [sflag:s29], $0x1  }
0xb8: {  	[sflag:s29] =	ssyncadd.s32 $0xFFFFFFFF  }
0xb9: {  	_ =	strace $0x90000048  }
0xba: {  	_ =	sfence  }
0xbb: {  	s30 =	sld [smem:$0x0];
	_ =	sdelay $0x2  }
0xbc: {  	s31 =	sshll.u32 s1, $0xD;
	s1 =	sshrl.u32 s1, $0x2  }
0xbd: {  	s3 =	sand.u32 $0x4000, s31;
	s1 =	sadd.s32 s1, s30  }
0xbe: {  	s0 =	sor.u32 s3, s0;
	s1 =	sshll.u32 s1, $0x11  }
0xbf: {  	s0 =	sor.u32 s1, s0  }
0xc0: {  	s0 =	sadd.s32 $0x8F2B, s0  }
0xc1: {  	[sflag:s0] =	ssyncadd.remote.s32 $0x1  }
0xc2: {  	_ =	sfence.sel $0xFFFF  }
0xc3: {  	[dreg:$0x0] =	wrdreg $0xFFFFFFFF;
	(pc) =	sbr.abs _section_cstart, $3  }
0xc4: {  	[dreg:$0x1] =	wrdreg $0xFFFFFFFF  }
0xc5: {  	_ =	task.clear_ibuf [dreg:s9], $0x2FFFF;
	_ =	strace $0x9FFFFFFF  }
0xc6: {  	(tm) =	ssettm $0x7FFFFFFF  }
0xc7: {  	_ =	shalt  }
tec
execute0_lowered:
.L_overlay_start_1:
0x0: {  	(tag) =	ssettag $0x1  }
0x1: {  	s0 =	rddreg [dreg:$0x0]  }
0x2: {  	s4 =	rddreg [dreg:$0x1];
	s1 =	srdreg.scid  }
0x3: {  	s6 =	rddreg [dreg:$0x2];
	s16 =	sand.u32 $0x1, s1  }
0x4: {  	s17 =	rddreg [dreg:$0x3];
	s2 =	stileid.u32;
	s5 =	sshll.u32 s16, $0x4  }
0x5: {  	s3 =	simm.s32 $0x0;
	s1 =	rddreg [dreg:$0x4];
	s18 =	sor.u32 s2, s5  }
0x6: {  	[smem:$0x7FF] =	sst s3;
	s5 =	sshll.u32 s18, $0x2  }
0x7: {  	_ =	strace $0x80000047;
	s5 =	sadd.s32 s4, s5;
	s4 =	simm.s32 $0x3  }
0x8: {  	[tilespmem:s3], [sflag:$0x3] =	stream.linear.gather [hbm4b:s5+s3], $0x20, $0x38;
	[tilespmem:$0x1500] =	vst v63  }
0x9: {  	_ =	swait.ge [sflag:s4], $0x20  }
0xa: {  	s7 =	simm.s32 $0x20;
	p0 =	sne.s32 s16, $0x0;
	[sflag:s4] =	ssyncset.done $0x0  }
0xb: {  	s8 =	simm.s32 $0x80;
	s9 =	simm.s32 @!p0 $0x0;
	[sflag:s4] =	ssyncadd.s32 $0xFFFFFFE0  }
0xc: {  	[tilespmem:s8], [sflag:$0x1] =	stream.indirect.gather [hbm4b:s0+s7], $0x80, s3, s7, $0xb8;
	[tilespmem:$0x1500] =	vst v63  }
0xd: {  	s10 =	simm.s32 @!p0 $0x1080;
	s11 =	simm.s32 @!p0 $0x3;
	s6 =	sadd.s32 s6, s18  }
0xe: {  	[tilespmem:s10], [sflag:$0x3] =	stream.linear.gather @!p0 [hbm4b:s6+s9], $0x8, $0x38;
	[tilespmem:$0x1500] =	vst v63  }
0xf: {  	_ =	swait.ge @!p0 [sflag:s11], $0x8  }
0x10: {  	s12 =	simm.s32 @!p0 $0x2;
	[sflag:s11] =	ssyncset.done @!p0 $0x0  }
0x11: {  	s13 =	simm.s32 @!p0 $0x8;
	s14 =	simm.s32 @!p0 $0x1100;
	[sflag:s11] =	ssyncadd.s32 @!p0 $0xFFFFFFF8  }
0x12: {  	[tilespmem:s14], [sflag:$0x2] =	stream.indirect.gather @!p0 [hbm4b:s0+s13], $0x80, s10, s13, $0xb8;
	[tilespmem:$0x1500] =	vst v63  }
0x13: {  	s15 =	sshll.u32 s2, $0x7;
	_ =	swait.ge @!p0 [sflag:s12], $0x400  }
0x14: {  	s15 =	sadd.s32 s15, s17;
	s19 =	ssub.s32 $0x2, s16;
	[sflag:s12] =	ssyncset.done @!p0 $0x0  }
0x15: {  	s15 =	sadd.s32 $0x5200, s15;
	s20 =	sshrl.u32 s19, $0x1;
	[sflag:s12] =	ssyncadd.s32 @!p0 $0xFFFFFC00  }
0x16: {  	[hbm4b:s15+s9] =	stream.linear.scatter @!p0 [tilespmem:s14], [sflag:$0x3], $0x400, $0x38;
	[tilespmem:$0x1500] =	vst v63  }
0x17: {  	s16 =	simm.s32 $0x1;
	s19 =	ssub.s32 s19, s20;
	_ =	swait.ge @!p0 [sflag:s11], $0x400  }
0x18: {  	s18 =	sshll.u32 s18, $0x9;
	s31 =	smax.u32 s19, $0x1;
	[sflag:s11] =	ssyncset.done @!p0 $0x0  }
0x19: {  	s17 =	sadd.s32 s18, s17;
	s18 =	sadd.s32 $0xFFFFFFFF, s31;
	[sflag:s11] =	ssyncadd.s32 @!p0 $0xFFFFFC00  }
0x1a: {  	p1 =	sne.s32 s18, $0x0;
	_ =	swait.ge [sflag:s16], $0x1000  }
.Ltmp0:
0x1b: {  	[sflag:s16] =	ssyncset.done $0x0;
	(pc) =	sbr.rel @!p1 .LBB2_2-.Ltmp0, $4  }
0x1c: {  	s17 =	sadd.s32 $0x1200, s17;
	[sflag:s16] =	ssyncadd.s32 $0xFFFFF000  }
0x1d: {  	[hbm4b:s17+s3] =	stream.linear.scatter [tilespmem:s8], [sflag:$0x3], $0x1000, $0x38;
	[tilespmem:$0x1500] =	vst v63  }
0x1e: {  	_ =	swait.ge [sflag:s4], $0x1000  }
0x1f: {  	[sflag:s4] =	ssyncset.done $0x0  }
.LBB2_1:
0x20: {  	s18 =	sadd.s32 $0xFFFFFFFF, s18;
	[sflag:s4] =	ssyncadd.s32 $0xFFFFF000  }
0x21: {  	[tilespmem:s3], [sflag:$0x3] =	stream.linear.gather [hbm4b:s5+s3], $0x20, $0x38;
	[tilespmem:$0x1500] =	vst v63  }
0x22: {  	p1 =	sne.s32 s18, $0x0;
	_ =	swait.ge [sflag:s4], $0x20  }
0x23: {  	[sflag:s4] =	ssyncset.done $0x0  }
0x24: {  	[sflag:s4] =	ssyncadd.s32 $0xFFFFFFE0  }
0x25: {  	[tilespmem:s8], [sflag:$0x1] =	stream.indirect.gather [hbm4b:s0+s7], $0x80, s3, s7, $0xb8;
	[tilespmem:$0x1500] =	vst v63  }
0x26: {  	_ = 	snop  }
0x27: {  	[tilespmem:s10], [sflag:$0x3] =	stream.linear.gather @!p0 [hbm4b:s6+s9], $0x8, $0x38;
	[tilespmem:$0x1500] =	vst v63  }
0x28: {  	_ =	swait.ge @!p0 [sflag:s11], $0x8  }
0x29: {  	[sflag:s11] =	ssyncset.done @!p0 $0x0  }
0x2a: {  	[sflag:s11] =	ssyncadd.s32 @!p0 $0xFFFFFFF8  }
0x2b: {  	[tilespmem:s14], [sflag:$0x2] =	stream.indirect.gather @!p0 [hbm4b:s0+s13], $0x80, s10, s13, $0xb8;
	[tilespmem:$0x1500] =	vst v63  }
0x2c: {  	_ =	swait.ge @!p0 [sflag:s12], $0x400  }
0x2d: {  	[sflag:s12] =	ssyncset.done @!p0 $0x0  }
0x2e: {  	[sflag:s12] =	ssyncadd.s32 @!p0 $0xFFFFFC00  }
0x2f: {  	[hbm4b:s15+s9] =	stream.linear.scatter @!p0 [tilespmem:s14], [sflag:$0x3], $0x400, $0x38;
	[tilespmem:$0x1500] =	vst v63  }
0x30: {  	_ =	swait.ge @!p0 [sflag:s11], $0x400  }
0x31: {  	[sflag:s11] =	ssyncset.done @!p0 $0x0  }
0x32: {  	[sflag:s11] =	ssyncadd.s32 @!p0 $0xFFFFFC00  }
0x33: {  	_ =	swait.ge [sflag:s16], $0x1000  }
.Ltmp1:
0x34: {  	[sflag:s16] =	ssyncset.done $0x0;
	(pc) =	sbr.rel @p1 .LBB2_1-.Ltmp1, $4  }
0x35: {  	[sflag:s16] =	ssyncadd.s32 $0xFFFFF000  }
0x36: {  	[hbm4b:s17+s3] =	stream.linear.scatter [tilespmem:s8], [sflag:$0x3], $0x1000, $0x38;
	[tilespmem:$0x1500] =	vst v63  }
0x37: {  	_ =	swait.ge [sflag:s4], $0x1000  }
0x38: {  	[sflag:s4] =	ssyncset.done $0x0  }
.LBB2_2:
0x39: {  	[sflag:s4] =	ssyncadd.s32 $0xFFFFF000  }
0x3a: {  	_ =	sfence.sel $0x180000  }
0x3b: {  	[bflag:$0x0] =	sbarrier.arrive $0xFFFF  }
0x3c: {  	p0 =	sne.s32 s2, $0x0;
	_ =	strace $0x90000047  }
0x3d: {  	s0 =	sadd.s32 @!p0 $0x100000, s1;
	[bflag:$0x2] =	sbarrier.arrive $0xFFFF  }
0x3e: {  	[sflag:s0] =	ssyncadd.tile.s32 @!p0 $0x1;
	_ =	shalt  }
.Lfunc_end2:
_tile_overlayer_lowered:
.L_overlay_start_2:
0x3f: {  	(tag) =	ssettag $0x2  }
0x40: {  	s0 =	rddreg [dreg:$0x0];
	s2 =	stileid.u32  }
0x41: {  	s1 =	rddreg [dreg:$0x1];
	p0 =	sne.s32 s2, $0x0  }
0x42: {  	s3 =	rddreg [dreg:$0x2];
	[bflag:$0x3] =	sbarrier.arrive $0xFFFF;
	s2 =	simm.s32 @!p0 $0x1C03  }
0x43: {  	[timem:s3], [sflag:s2] =	dma.local @!p0 [hbm:s0], s1  }
0x44: {  	s0 =	simm.s32 @!p0 $0x3  }
0x45: {  	_ =	swait.ge @!p0 [sflag:s0], s1  }
0x46: {  	s1 =	ssub.s32 @!p0 $0x0, s1;
	[sflag:s0] =	ssyncset.done @!p0 $0x0  }
0x47: {  	[sflag:s0] =	ssyncadd.s32 @!p0 s1  }
0x48: {  	[bflag:$0x3] =	sbarrier.arrive $0xFFFF  }
0x49: {  	_ =	shalt  }

</sc_bundles>
